<compile_context>
chip_gen: v7x
topology: tpu7x:2x2x1
jax: 0.10.2.dev20260603
libtpu: 0.0.44.dev20260713+nightly
codegen_flags: <defaults>
</compile_context>

<pallas_src>
import jax
import jax.numpy as jnp
from jax import lax
from jax.experimental import pallas as pl
from jax.experimental.pallas import tpu as pltpu
from jax.experimental.pallas import tpu_sc as plsc

_VOCAB = 1000000
_EMB = 64
_RANK = 1
_WORLD = 4
_NUM_PER_RANK = _VOCAB // _WORLD
_LOWER = _RANK * _NUM_PER_RANK
_UPPER = (_RANK + 1) * _NUM_PER_RANK

_BATCH = 4096
_SEQ = 200
_TOTAL = _BATCH * _SEQ

_NC = 2
_NS = 16
_NW = _NC * _NS
_PER_W = _TOTAL // _NW
_CHUNK = 800
_NCHUNK = _PER_W // _CHUNK
_GROUPS = _CHUNK // 16
_NZERO = _NW * _CHUNK


def _body(
    ids_hbm, table_hbm, out_hbm,
    raw_a, raw_b, idx_a, idx_b, rows_a, rows_b,
    sem_ga, sem_gb, sem_oa, sem_ob,
):
    wid = lax.axis_index("s") * _NC + lax.axis_index("c")
    lane = lax.iota(jnp.int32, 16)
    zbase = _NUM_PER_RANK + wid * _CHUNK

    def stage(g, raw_v, idx_v):
        base = wid * _PER_W + g * _CHUNK
        pltpu.sync_copy(ids_hbm.at[pl.ds(base, _CHUNK)], raw_v)

        def xform(i, _):
            v = raw_v[pl.ds(i * 16, 16)]
            valid = (v >= _LOWER) & (v < _UPPER)
            zrow = zbase + i * 16 + lane
            idx_v[pl.ds(i * 16, 16)] = jnp.where(valid, v - _LOWER, zrow)
            return _

        lax.fori_loop(0, _GROUPS, xform, None)

    def fire_gather(idx_v, rows_v, sem):
        pltpu.async_copy(table_hbm.at[idx_v], rows_v, sem)

    def wait_gather(idx_v, rows_v, sem):
        pltpu.make_async_copy(table_hbm.at[idx_v], rows_v, sem).wait()

    def fire_out(g, rows_v, sem):
        base = wid * _PER_W + g * _CHUNK
        pltpu.async_copy(rows_v, out_hbm.at[pl.ds(base, _CHUNK)], sem)

    def wait_out(g, rows_v, sem):
        base = wid * _PER_W + g * _CHUNK
        pltpu.make_async_copy(rows_v, out_hbm.at[pl.ds(base, _CHUNK)], sem).wait()

    stage(0, raw_a, idx_a)
    fire_gather(idx_a, rows_a, sem_ga)
    stage(1, raw_b, idx_b)
    fire_gather(idx_b, rows_b, sem_gb)
    wait_gather(idx_a, rows_a, sem_ga)
    fire_out(0, rows_a, sem_oa)

    def pipe(i, _):
        ga = 2 * i
        gb = 2 * i + 1
        stage(ga, raw_a, idx_a)
        wait_out(ga - 2, rows_a, sem_oa)
        fire_gather(idx_a, rows_a, sem_ga)
        wait_gather(idx_b, rows_b, sem_gb)
        fire_out(gb - 2, rows_b, sem_ob)
        stage(gb, raw_b, idx_b)
        wait_out(gb - 2, rows_b, sem_ob)
        fire_gather(idx_b, rows_b, sem_gb)
        wait_gather(idx_a, rows_a, sem_ga)
        fire_out(ga, rows_a, sem_oa)
        return _

    lax.fori_loop(1, _NCHUNK // 2, pipe, None)

    wait_gather(idx_b, rows_b, sem_gb)
    fire_out(_NCHUNK - 1, rows_b, sem_ob)
    wait_out(_NCHUNK - 2, rows_a, sem_oa)
    wait_out(_NCHUNK - 1, rows_b, sem_ob)


@jax.jit
def kernel(input_ids, embedding_table):
    ids_flat = input_ids.reshape(_TOTAL)
    table_ext = jnp.concatenate(
        [embedding_table, jnp.zeros((_NZERO, _EMB), jnp.float32)], axis=0
    )
    out = pl.kernel(
        _body,
        out_type=jax.ShapeDtypeStruct((_TOTAL, _EMB), jnp.float32),
        mesh=plsc.VectorSubcoreMesh(core_axis_name="c", subcore_axis_name="s"),
        scratch_types=[
            pltpu.VMEM((_CHUNK,), jnp.int32),
            pltpu.VMEM((_CHUNK,), jnp.int32),
            pltpu.VMEM((_CHUNK,), jnp.int32),
            pltpu.VMEM((_CHUNK,), jnp.int32),
            pltpu.VMEM((_CHUNK, _EMB), jnp.float32),
            pltpu.VMEM((_CHUNK, _EMB), jnp.float32),
            pltpu.SemaphoreType.DMA,
            pltpu.SemaphoreType.DMA,
            pltpu.SemaphoreType.DMA,
            pltpu.SemaphoreType.DMA,
        ],
        compiler_params=pltpu.CompilerParams(
            needs_layout_passes=False,
            use_tc_tiling_on_sc=False,
            disable_bounds_checks=True,
        ),
    )(ids_flat, table_ext)
    return out.reshape(_BATCH, _SEQ, _EMB)

# --- scband reference (transcript-rebuilt; emitter-appended) ---
"""Pipeline reference for scband-parallel-vocab-embedding-32701880992148 (READ-ONLY COPY).

The authoritative reference and input builder live on the scoring server;
editing this copy changes nothing except your own understanding.
"""

import jax, jax.numpy as jnp
import numpy as np

VOCAB = 1000000
EMB = 64
RANK = 1
WORLD = 4
NUM_PER_RANK = VOCAB // WORLD
BATCH = 4096
SEQ = 200


def setup_inputs(seed: int = 0) -> dict:
    key = jax.random.key(seed)
    k_ids, k_tab = jax.random.split(key)
    input_ids = jax.random.randint(k_ids, (BATCH, SEQ), 0, VOCAB, dtype=jnp.int32)
    # local shard of the embedding table for this rank (num_ids_per_rank, emb_size)
    embedding_table = jax.random.normal(k_tab, (NUM_PER_RANK, EMB), dtype=jnp.float32)
    return {"input_ids": input_ids, "embedding_table": embedding_table}


def reference(input_ids, embedding_table):
    lower = RANK * NUM_PER_RANK
    upper = (RANK + 1) * NUM_PER_RANK
    in_range = (input_ids >= lower) & (input_ids < upper)
    local_ids = jnp.clip(input_ids - lower, 0, NUM_PER_RANK - 1)
    gathered = jnp.take(embedding_table, local_ids, axis=0)  # (B, S, EMB)
    out = jnp.where(in_range[..., None], gathered, jnp.zeros((), dtype=embedding_table.dtype))
    return out

if __name__ == "__main__":
    import jax
    _d = setup_inputs()
    print(jax.jit(kernel)(*tuple(_d.values())))

</pallas_src>

<mosaic_0001>
#map = affine_map<(d0, d1) -> (0)>
#map1 = affine_map<(d0, d1) -> (0, 0)>
module attributes {stable_mosaic.version = 14 : i64} {
  func.func @_body(%arg0: i32, %arg1: i32, %arg2: memref<819200xi32, #tpu.memory_space<hbm>>, %arg3: memref<275600x64xf32, #tpu.memory_space<hbm>>, %arg4: memref<819200x64xf32, #tpu.memory_space<hbm>>, %arg5: memref<800xi32, #tpu.memory_space<vmem>>, %arg6: memref<800xi32, #tpu.memory_space<vmem>>, %arg7: memref<800xi32, #tpu.memory_space<vmem>>, %arg8: memref<800xi32, #tpu.memory_space<vmem>>, %arg9: memref<800x64xf32, #tpu.memory_space<vmem>>, %arg10: memref<800x64xf32, #tpu.memory_space<vmem>>, %arg11: memref<!tpu.dma_semaphore, #tpu.memory_space<semaphore_mem>>, %arg12: memref<!tpu.dma_semaphore, #tpu.memory_space<semaphore_mem>>, %arg13: memref<!tpu.dma_semaphore, #tpu.memory_space<semaphore_mem>>, %arg14: memref<!tpu.dma_semaphore, #tpu.memory_space<semaphore_mem>>) attributes {dimension_semantics = [#tpu.dimension_semantics<core_parallel>, #tpu.dimension_semantics<subcore_parallel>], iteration_bounds = array<i64: 2, 16>, scalar_prefetch = 0 : i64, scratch_operands = 10 : i64, tpu.core_type = #tpu.core_type<sc_vector_subcore>, window_params = [{transform_indices = #map}, {transform_indices = #map1}, {transform_indices = #map1}]} {
    %mul3A = arith.constant 2 : i32
    %mul3A_0 = arith.muli %arg1, %mul3A : i32
    %add3A = arith.addi %mul3A_0, %arg0 : i32
    %iota3A = tpu.iota {dimensions = array<i32: 0>} : vector<16xi32>
    %mul3A_1 = arith.constant 800 : i32
    %mul3A_2 = arith.muli %add3A, %mul3A_1 : i32
    %add3A_3 = arith.constant 250000 : i32
    %add3A_4 = arith.addi %add3A_3, %mul3A_2 : i32
    %mul3A_5 = arith.constant 25600 : i32
    %mul3A_6 = arith.muli %add3A, %mul3A_5 : i32
    %add3A_7 = arith.constant 0 : i32
    %add3A_8 = arith.addi %mul3A_6, %add3A_7 : i32
    "tpu.region"() ({
      %run_scoped3A = tpu.sem_alloc : memref<!tpu.dma_semaphore, #tpu.memory_space<semaphore_mem>>
      %dma_start3A_69 = tpu.memref_slice %arg2[%add3A_8] : memref<819200xi32, #tpu.memory_space<hbm>> -> memref<800xi32, #tpu.memory_space<hbm>>
      %dma_start3A_70 = tpu.memref_slice %arg2[%add3A_8] : memref<819200xi32, #tpu.memory_space<hbm>> -> memref<800xi32, #tpu.memory_space<hbm>>
      tpu.enqueue_dma source(%dma_start3A_70 : memref<800xi32, #tpu.memory_space<hbm>>) target(%arg5 : memref<800xi32, #tpu.memory_space<vmem>>) target_semaphore(%run_scoped3A : memref<!tpu.dma_semaphore, #tpu.memory_space<semaphore_mem>>)
      %dma_wait3A_71 = tpu.memref_slice %arg2[%add3A_8] : memref<819200xi32, #tpu.memory_space<hbm>> -> memref<800xi32, #tpu.memory_space<hbm>>
      %dma_wait3A_72 = tpu.memref_slice %arg2[%add3A_8] : memref<819200xi32, #tpu.memory_space<hbm>> -> memref<800xi32, #tpu.memory_space<hbm>>
      tpu.wait_dma2 semaphore(%run_scoped3A : memref<!tpu.dma_semaphore, #tpu.memory_space<semaphore_mem>>) src(%dma_wait3A_72 : memref<800xi32, #tpu.memory_space<hbm>>) dst(%arg5 : memref<800xi32, #tpu.memory_space<vmem>>)
      tpu.yield
    }) : () -> ()
    %scan3A = arith.constant 0 : i32
    %scan3A_9 = arith.constant 50 : i32
    %scan3A_10 = arith.addi %scan3A, %scan3A_9 : i32
    %scan3A_11 = arith.constant 1 : i32
    scf.for %scan3A_69 = %scan3A to %scan3A_10 step %scan3A_11  : i32 {
      %mul3A_70 = arith.constant 16 : i32
      %mul3A_71 = arith.muli %scan3A_69, %mul3A_70 : i32
      %get3A = arith.index_cast %mul3A_71 : i32 to index
      %get3A_72 = tpu.vector_load %arg5[%get3A] {strides = array<i32>} : memref<800xi32, #tpu.memory_space<vmem>>, vector<16xi32>,
      %ge3A = arith.constant 250000 : i32
      %ge3A_73 = vector.broadcast %ge3A : i32 to vector<16xi32>
      %ge3A_74 = arith.cmpi sge, %get3A_72, %ge3A_73 : vector<16xi32>
      %lt3A = arith.constant 500000 : i32
      %lt3A_75 = vector.broadcast %lt3A : i32 to vector<16xi32>
      %lt3A_76 = arith.cmpi slt, %get3A_72, %lt3A_75 : vector<16xi32>
      %and3A = arith.andi %ge3A_74, %lt3A_76 : vector<16xi1>
      %mul3A_77 = arith.constant 16 : i32
      %mul3A_78 = arith.muli %scan3A_69, %mul3A_77 : i32
      %add3A_79 = arith.addi %add3A_4, %mul3A_78 : i32
      %add3A_80 = vector.broadcast %add3A_79 : i32 to vector<16xi32>
      %add3A_81 = arith.addi %add3A_80, %iota3A : vector<16xi32>
      %sub3A = arith.constant 250000 : i32
      %sub3A_82 = vector.broadcast %sub3A : i32 to vector<16xi32>
      %sub3A_83 = arith.subi %get3A_72, %sub3A_82 : vector<16xi32>
      %select_n3A = arith.select %and3A, %sub3A_83, %add3A_81 : vector<16xi1>, vector<16xi32>
      %mul3A_84 = arith.constant 16 : i32
      %mul3A_85 = arith.muli %scan3A_69, %mul3A_84 : i32
      %swap3A = arith.index_cast %mul3A_85 : i32 to index
      %swap3A_86 = tpu.vector_load %arg7[%swap3A] {strides = array<i32>} : memref<800xi32, #tpu.memory_space<vmem>>, vector<16xi32>,
      tpu.vector_store %arg7[%swap3A], %select_n3A {strides = array<i32>} : memref<800xi32, #tpu.memory_space<vmem>>, vector<16xi32>,
    }
    %scan3A_12 = arith.constant 50 : i32
    %dma_start3A = arith.constant 0 : i32
    %dma_start3A_13 = arith.constant 0 : i32
    %dma_start3A_14 = tpu.memref_slice %arg3[%dma_start3A, %dma_start3A_13] : memref<275600x64xf32, #tpu.memory_space<hbm>> -> memref<275600x64xf32, #tpu.memory_space<hbm>>
    tpu.enqueue_indirect_dma source(%dma_start3A_14 : memref<275600x64xf32, #tpu.memory_space<hbm>>) target(%arg9 : memref<800x64xf32, #tpu.memory_space<vmem>>) offsets(%arg7 : memref<800xi32, #tpu.memory_space<vmem>>) semaphore(%arg11 : memref<!tpu.dma_semaphore, #tpu.memory_space<semaphore_mem>>)
    %mul3A_15 = arith.constant 25600 : i32
    %mul3A_16 = arith.muli %add3A, %mul3A_15 : i32
    %add3A_17 = arith.constant 800 : i32
    %add3A_18 = arith.addi %mul3A_16, %add3A_17 : i32
    "tpu.region"() ({
      %run_scoped3A = tpu.sem_alloc : memref<!tpu.dma_semaphore, #tpu.memory_space<semaphore_mem>>
      %dma_start3A_69 = tpu.memref_slice %arg2[%add3A_18] : memref<819200xi32, #tpu.memory_space<hbm>> -> memref<800xi32, #tpu.memory_space<hbm>>
      %dma_start3A_70 = tpu.memref_slice %arg2[%add3A_18] : memref<819200xi32, #tpu.memory_space<hbm>> -> memref<800xi32, #tpu.memory_space<hbm>>
      tpu.enqueue_dma source(%dma_start3A_70 : memref<800xi32, #tpu.memory_space<hbm>>) target(%arg6 : memref<800xi32, #tpu.memory_space<vmem>>) target_semaphore(%run_scoped3A : memref<!tpu.dma_semaphore, #tpu.memory_space<semaphore_mem>>)
      %dma_wait3A_71 = tpu.memref_slice %arg2[%add3A_18] : memref<819200xi32, #tpu.memory_space<hbm>> -> memref<800xi32, #tpu.memory_space<hbm>>
      %dma_wait3A_72 = tpu.memref_slice %arg2[%add3A_18] : memref<819200xi32, #tpu.memory_space<hbm>> -> memref<800xi32, #tpu.memory_space<hbm>>
      tpu.wait_dma2 semaphore(%run_scoped3A : memref<!tpu.dma_semaphore, #tpu.memory_space<semaphore_mem>>) src(%dma_wait3A_72 : memref<800xi32, #tpu.memory_space<hbm>>) dst(%arg6 : memref<800xi32, #tpu.memory_space<vmem>>)
      tpu.yield
    }) : () -> ()
    %scan3A_19 = arith.constant 0 : i32
    %scan3A_20 = arith.constant 50 : i32
    %scan3A_21 = arith.addi %scan3A_19, %scan3A_20 : i32
    %scan3A_22 = arith.constant 1 : i32
    scf.for %scan3A_69 = %scan3A_19 to %scan3A_21 step %scan3A_22  : i32 {
      %mul3A_70 = arith.constant 16 : i32
      %mul3A_71 = arith.muli %scan3A_69, %mul3A_70 : i32
      %get3A = arith.index_cast %mul3A_71 : i32 to index
      %get3A_72 = tpu.vector_load %arg6[%get3A] {strides = array<i32>} : memref<800xi32, #tpu.memory_space<vmem>>, vector<16xi32>,
      %ge3A = arith.constant 250000 : i32
      %ge3A_73 = vector.broadcast %ge3A : i32 to vector<16xi32>
      %ge3A_74 = arith.cmpi sge, %get3A_72, %ge3A_73 : vector<16xi32>
      %lt3A = arith.constant 500000 : i32
      %lt3A_75 = vector.broadcast %lt3A : i32 to vector<16xi32>
      %lt3A_76 = arith.cmpi slt, %get3A_72, %lt3A_75 : vector<16xi32>
      %and3A = arith.andi %ge3A_74, %lt3A_76 : vector<16xi1>
      %mul3A_77 = arith.constant 16 : i32
      %mul3A_78 = arith.muli %scan3A_69, %mul3A_77 : i32
      %add3A_79 = arith.addi %add3A_4, %mul3A_78 : i32
      %add3A_80 = vector.broadcast %add3A_79 : i32 to vector<16xi32>
      %add3A_81 = arith.addi %add3A_80, %iota3A : vector<16xi32>
      %sub3A = arith.constant 250000 : i32
      %sub3A_82 = vector.broadcast %sub3A : i32 to vector<16xi32>
      %sub3A_83 = arith.subi %get3A_72, %sub3A_82 : vector<16xi32>
      %select_n3A = arith.select %and3A, %sub3A_83, %add3A_81 : vector<16xi1>, vector<16xi32>
      %mul3A_84 = arith.constant 16 : i32
      %mul3A_85 = arith.muli %scan3A_69, %mul3A_84 : i32
      %swap3A = arith.index_cast %mul3A_85 : i32 to index
      %swap3A_86 = tpu.vector_load %arg8[%swap3A] {strides = array<i32>} : memref<800xi32, #tpu.memory_space<vmem>>, vector<16xi32>,
      tpu.vector_store %arg8[%swap3A], %select_n3A {strides = array<i32>} : memref<800xi32, #tpu.memory_space<vmem>>, vector<16xi32>,
    }
    %scan3A_23 = arith.constant 50 : i32
    %dma_start3A_24 = arith.constant 0 : i32
    %dma_start3A_25 = arith.constant 0 : i32
    %dma_start3A_26 = tpu.memref_slice %arg3[%dma_start3A_24, %dma_start3A_25] : memref<275600x64xf32, #tpu.memory_space<hbm>> -> memref<275600x64xf32, #tpu.memory_space<hbm>>
    tpu.enqueue_indirect_dma source(%dma_start3A_26 : memref<275600x64xf32, #tpu.memory_space<hbm>>) target(%arg10 : memref<800x64xf32, #tpu.memory_space<vmem>>) offsets(%arg8 : memref<800xi32, #tpu.memory_space<vmem>>) semaphore(%arg12 : memref<!tpu.dma_semaphore, #tpu.memory_space<semaphore_mem>>)
    %dma_wait3A = arith.constant 0 : i32
    %dma_wait3A_27 = arith.constant 0 : i32
    %dma_wait3A_28 = tpu.memref_slice %arg3[%dma_wait3A, %dma_wait3A_27] : memref<275600x64xf32, #tpu.memory_space<hbm>> -> memref<275600x64xf32, #tpu.memory_space<hbm>>
    tpu.wait_indirect_dma semaphore(%arg11 : memref<!tpu.dma_semaphore, #tpu.memory_space<semaphore_mem>>) src(%dma_wait3A_28 : memref<275600x64xf32, #tpu.memory_space<hbm>>) dst(%arg9 : memref<800x64xf32, #tpu.memory_space<vmem>>)
    %mul3A_29 = arith.constant 25600 : i32
    %mul3A_30 = arith.muli %add3A, %mul3A_29 : i32
    %add3A_31 = arith.constant 0 : i32
    %add3A_32 = arith.addi %mul3A_30, %add3A_31 : i32
    %dma_start3A_33 = arith.constant 0 : i32
    %dma_start3A_34 = tpu.memref_slice %arg4[%add3A_32, %dma_start3A_33] : memref<819200x64xf32, #tpu.memory_space<hbm>> -> memref<800x64xf32, #tpu.memory_space<hbm>>
    %dma_start3A_35 = arith.constant 0 : i32
    %dma_start3A_36 = tpu.memref_slice %arg4[%add3A_32, %dma_start3A_35] : memref<819200x64xf32, #tpu.memory_space<hbm>> -> memref<800x64xf32, #tpu.memory_space<hbm>>
    tpu.enqueue_dma source(%arg9 : memref<800x64xf32, #tpu.memory_space<vmem>>) target(%dma_start3A_36 : memref<800x64xf32, #tpu.memory_space<hbm>>) target_semaphore(%arg13 : memref<!tpu.dma_semaphore, #tpu.memory_space<semaphore_mem>>)
    %scan3A_37 = arith.constant 1 : i32
    %scan3A_38 = arith.constant 15 : i32
    %scan3A_39 = arith.addi %scan3A_37, %scan3A_38 : i32
    %scan3A_40 = arith.constant 1 : i32
    scf.for %scan3A_69 = %scan3A_37 to %scan3A_39 step %scan3A_40  : i32 {
      %mul3A_70 = arith.constant 2 : i32
      %mul3A_71 = arith.muli %mul3A_70, %scan3A_69 : i32
      %mul3A_72 = arith.constant 2 : i32
      %mul3A_73 = arith.muli %mul3A_72, %scan3A_69 : i32
      %add3A_74 = arith.constant 1 : i32
      %add3A_75 = arith.addi %mul3A_73, %add3A_74 : i32
      %mul3A_76 = arith.constant 25600 : i32
      %mul3A_77 = arith.muli %add3A, %mul3A_76 : i32
      %mul3A_78 = arith.constant 800 : i32
      %mul3A_79 = arith.muli %mul3A_71, %mul3A_78 : i32
      %add3A_80 = arith.addi %mul3A_77, %mul3A_79 : i32
      "tpu.region"() ({
        %run_scoped3A = tpu.sem_alloc : memref<!tpu.dma_semaphore, #tpu.memory_space<semaphore_mem>>
        %dma_start3A_149 = tpu.memref_slice %arg2[%add3A_80] : memref<819200xi32, #tpu.memory_space<hbm>> -> memref<800xi32, #tpu.memory_space<hbm>>
        %dma_start3A_150 = tpu.memref_slice %arg2[%add3A_80] : memref<819200xi32, #tpu.memory_space<hbm>> -> memref<800xi32, #tpu.memory_space<hbm>>
        tpu.enqueue_dma source(%dma_start3A_150 : memref<800xi32, #tpu.memory_space<hbm>>) target(%arg5 : memref<800xi32, #tpu.memory_space<vmem>>) target_semaphore(%run_scoped3A : memref<!tpu.dma_semaphore, #tpu.memory_space<semaphore_mem>>)
        %dma_wait3A_151 = tpu.memref_slice %arg2[%add3A_80] : memref<819200xi32, #tpu.memory_space<hbm>> -> memref<800xi32, #tpu.memory_space<hbm>>
        %dma_wait3A_152 = tpu.memref_slice %arg2[%add3A_80] : memref<819200xi32, #tpu.memory_space<hbm>> -> memref<800xi32, #tpu.memory_space<hbm>>
        tpu.wait_dma2 semaphore(%run_scoped3A : memref<!tpu.dma_semaphore, #tpu.memory_space<semaphore_mem>>) src(%dma_wait3A_152 : memref<800xi32, #tpu.memory_space<hbm>>) dst(%arg5 : memref<800xi32, #tpu.memory_space<vmem>>)
        tpu.yield
      }) : () -> ()
      %scan3A_81 = arith.constant 0 : i32
      %scan3A_82 = arith.constant 50 : i32
      %scan3A_83 = arith.addi %scan3A_81, %scan3A_82 : i32
      %scan3A_84 = arith.constant 1 : i32
      scf.for %scan3A_149 = %scan3A_81 to %scan3A_83 step %scan3A_84  : i32 {
        %mul3A_150 = arith.constant 16 : i32
        %mul3A_151 = arith.muli %scan3A_149, %mul3A_150 : i32
        %get3A = arith.index_cast %mul3A_151 : i32 to index
        %get3A_152 = tpu.vector_load %arg5[%get3A] {strides = array<i32>} : memref<800xi32, #tpu.memory_space<vmem>>, vector<16xi32>,
        %ge3A = arith.constant 250000 : i32
        %ge3A_153 = vector.broadcast %ge3A : i32 to vector<16xi32>
        %ge3A_154 = arith.cmpi sge, %get3A_152, %ge3A_153 : vector<16xi32>
        %lt3A = arith.constant 500000 : i32
        %lt3A_155 = vector.broadcast %lt3A : i32 to vector<16xi32>
        %lt3A_156 = arith.cmpi slt, %get3A_152, %lt3A_155 : vector<16xi32>
        %and3A = arith.andi %ge3A_154, %lt3A_156 : vector<16xi1>
        %mul3A_157 = arith.constant 16 : i32
        %mul3A_158 = arith.muli %scan3A_149, %mul3A_157 : i32
        %add3A_159 = arith.addi %add3A_4, %mul3A_158 : i32
        %add3A_160 = vector.broadcast %add3A_159 : i32 to vector<16xi32>
        %add3A_161 = arith.addi %add3A_160, %iota3A : vector<16xi32>
        %sub3A_162 = arith.constant 250000 : i32
        %sub3A_163 = vector.broadcast %sub3A_162 : i32 to vector<16xi32>
        %sub3A_164 = arith.subi %get3A_152, %sub3A_163 : vector<16xi32>
        %select_n3A = arith.select %and3A, %sub3A_164, %add3A_161 : vector<16xi1>, vector<16xi32>
        %mul3A_165 = arith.constant 16 : i32
        %mul3A_166 = arith.muli %scan3A_149, %mul3A_165 : i32
        %swap3A = arith.index_cast %mul3A_166 : i32 to index
        %swap3A_167 = tpu.vector_load %arg7[%swap3A] {strides = array<i32>} : memref<800xi32, #tpu.memory_space<vmem>>, vector<16xi32>,
        tpu.vector_store %arg7[%swap3A], %select_n3A {strides = array<i32>} : memref<800xi32, #tpu.memory_space<vmem>>, vector<16xi32>,
      }
      %scan3A_85 = arith.constant 50 : i32
      %sub3A = arith.constant 2 : i32
      %sub3A_86 = arith.subi %mul3A_71, %sub3A : i32
      %mul3A_87 = arith.constant 25600 : i32
      %mul3A_88 = arith.muli %add3A, %mul3A_87 : i32
      %mul3A_89 = arith.constant 800 : i32
      %mul3A_90 = arith.muli %sub3A_86, %mul3A_89 : i32
      %add3A_91 = arith.addi %mul3A_88, %mul3A_90 : i32
      %dma_wait3A_92 = arith.constant 0 : i32
      %dma_wait3A_93 = tpu.memref_slice %arg4[%add3A_91, %dma_wait3A_92] : memref<819200x64xf32, #tpu.memory_space<hbm>> -> memref<800x64xf32, #tpu.memory_space<hbm>>
      %dma_wait3A_94 = arith.constant 0 : i32
      %dma_wait3A_95 = tpu.memref_slice %arg4[%add3A_91, %dma_wait3A_94] : memref<819200x64xf32, #tpu.memory_space<hbm>> -> memref<800x64xf32, #tpu.memory_space<hbm>>
      tpu.wait_dma2 semaphore(%arg13 : memref<!tpu.dma_semaphore, #tpu.memory_space<semaphore_mem>>) src(%arg9 : memref<800x64xf32, #tpu.memory_space<vmem>>) dst(%dma_wait3A_95 : memref<800x64xf32, #tpu.memory_space<hbm>>)
      %dma_start3A_96 = arith.constant 0 : i32
      %dma_start3A_97 = arith.constant 0 : i32
      %dma_start3A_98 = tpu.memref_slice %arg3[%dma_start3A_96, %dma_start3A_97] : memref<275600x64xf32, #tpu.memory_space<hbm>> -> memref<275600x64xf32, #tpu.memory_space<hbm>>
      tpu.enqueue_indirect_dma source(%dma_start3A_98 : memref<275600x64xf32, #tpu.memory_space<hbm>>) target(%arg9 : memref<800x64xf32, #tpu.memory_space<vmem>>) offsets(%arg7 : memref<800xi32, #tpu.memory_space<vmem>>) semaphore(%arg11 : memref<!tpu.dma_semaphore, #tpu.memory_space<semaphore_mem>>)
      %dma_wait3A_99 = arith.constant 0 : i32
      %dma_wait3A_100 = arith.constant 0 : i32
      %dma_wait3A_101 = tpu.memref_slice %arg3[%dma_wait3A_99, %dma_wait3A_100] : memref<275600x64xf32, #tpu.memory_space<hbm>> -> memref<275600x64xf32, #tpu.memory_space<hbm>>
      tpu.wait_indirect_dma semaphore(%arg12 : memref<!tpu.dma_semaphore, #tpu.memory_space<semaphore_mem>>) src(%dma_wait3A_101 : memref<275600x64xf32, #tpu.memory_space<hbm>>) dst(%arg10 : memref<800x64xf32, #tpu.memory_space<vmem>>)
      %sub3A_102 = arith.constant 2 : i32
      %sub3A_103 = arith.subi %add3A_75, %sub3A_102 : i32
      %mul3A_104 = arith.constant 25600 : i32
      %mul3A_105 = arith.muli %add3A, %mul3A_104 : i32
      %mul3A_106 = arith.constant 800 : i32
      %mul3A_107 = arith.muli %sub3A_103, %mul3A_106 : i32
      %add3A_108 = arith.addi %mul3A_105, %mul3A_107 : i32
      %dma_start3A_109 = arith.constant 0 : i32
      %dma_start3A_110 = tpu.memref_slice %arg4[%add3A_108, %dma_start3A_109] : memref<819200x64xf32, #tpu.memory_space<hbm>> -> memref<800x64xf32, #tpu.memory_space<hbm>>
      %dma_start3A_111 = arith.constant 0 : i32
      %dma_start3A_112 = tpu.memref_slice %arg4[%add3A_108, %dma_start3A_111] : memref<819200x64xf32, #tpu.memory_space<hbm>> -> memref<800x64xf32, #tpu.memory_space<hbm>>
      tpu.enqueue_dma source(%arg10 : memref<800x64xf32, #tpu.memory_space<vmem>>) target(%dma_start3A_112 : memref<800x64xf32, #tpu.memory_space<hbm>>) target_semaphore(%arg14 : memref<!tpu.dma_semaphore, #tpu.memory_space<semaphore_mem>>)
      %mul3A_113 = arith.constant 25600 : i32
      %mul3A_114 = arith.muli %add3A, %mul3A_113 : i32
      %mul3A_115 = arith.constant 800 : i32
      %mul3A_116 = arith.muli %add3A_75, %mul3A_115 : i32
      %add3A_117 = arith.addi %mul3A_114, %mul3A_116 : i32
      "tpu.region"() ({
        %run_scoped3A = tpu.sem_alloc : memref<!tpu.dma_semaphore, #tpu.memory_space<semaphore_mem>>
        %dma_start3A_149 = tpu.memref_slice %arg2[%add3A_117] : memref<819200xi32, #tpu.memory_space<hbm>> -> memref<800xi32, #tpu.memory_space<hbm>>
        %dma_start3A_150 = tpu.memref_slice %arg2[%add3A_117] : memref<819200xi32, #tpu.memory_space<hbm>> -> memref<800xi32, #tpu.memory_space<hbm>>
        tpu.enqueue_dma source(%dma_start3A_150 : memref<800xi32, #tpu.memory_space<hbm>>) target(%arg6 : memref<800xi32, #tpu.memory_space<vmem>>) target_semaphore(%run_scoped3A : memref<!tpu.dma_semaphore, #tpu.memory_space<semaphore_mem>>)
        %dma_wait3A_151 = tpu.memref_slice %arg2[%add3A_117] : memref<819200xi32, #tpu.memory_space<hbm>> -> memref<800xi32, #tpu.memory_space<hbm>>
        %dma_wait3A_152 = tpu.memref_slice %arg2[%add3A_117] : memref<819200xi32, #tpu.memory_space<hbm>> -> memref<800xi32, #tpu.memory_space<hbm>>
        tpu.wait_dma2 semaphore(%run_scoped3A : memref<!tpu.dma_semaphore, #tpu.memory_space<semaphore_mem>>) src(%dma_wait3A_152 : memref<800xi32, #tpu.memory_space<hbm>>) dst(%arg6 : memref<800xi32, #tpu.memory_space<vmem>>)
        tpu.yield
      }) : () -> ()
      %scan3A_118 = arith.constant 0 : i32
      %scan3A_119 = arith.constant 50 : i32
      %scan3A_120 = arith.addi %scan3A_118, %scan3A_119 : i32
      %scan3A_121 = arith.constant 1 : i32
      scf.for %scan3A_149 = %scan3A_118 to %scan3A_120 step %scan3A_121  : i32 {
        %mul3A_150 = arith.constant 16 : i32
        %mul3A_151 = arith.muli %scan3A_149, %mul3A_150 : i32
        %get3A = arith.index_cast %mul3A_151 : i32 to index
        %get3A_152 = tpu.vector_load %arg6[%get3A] {strides = array<i32>} : memref<800xi32, #tpu.memory_space<vmem>>, vector<16xi32>,
        %ge3A = arith.constant 250000 : i32
        %ge3A_153 = vector.broadcast %ge3A : i32 to vector<16xi32>
        %ge3A_154 = arith.cmpi sge, %get3A_152, %ge3A_153 : vector<16xi32>
        %lt3A = arith.constant 500000 : i32
        %lt3A_155 = vector.broadcast %lt3A : i32 to vector<16xi32>
        %lt3A_156 = arith.cmpi slt, %get3A_152, %lt3A_155 : vector<16xi32>
        %and3A = arith.andi %ge3A_154, %lt3A_156 : vector<16xi1>
        %mul3A_157 = arith.constant 16 : i32
        %mul3A_158 = arith.muli %scan3A_149, %mul3A_157 : i32
        %add3A_159 = arith.addi %add3A_4, %mul3A_158 : i32
        %add3A_160 = vector.broadcast %add3A_159 : i32 to vector<16xi32>
        %add3A_161 = arith.addi %add3A_160, %iota3A : vector<16xi32>
        %sub3A_162 = arith.constant 250000 : i32
        %sub3A_163 = vector.broadcast %sub3A_162 : i32 to vector<16xi32>
        %sub3A_164 = arith.subi %get3A_152, %sub3A_163 : vector<16xi32>
        %select_n3A = arith.select %and3A, %sub3A_164, %add3A_161 : vector<16xi1>, vector<16xi32>
        %mul3A_165 = arith.constant 16 : i32
        %mul3A_166 = arith.muli %scan3A_149, %mul3A_165 : i32
        %swap3A = arith.index_cast %mul3A_166 : i32 to index
        %swap3A_167 = tpu.vector_load %arg8[%swap3A] {strides = array<i32>} : memref<800xi32, #tpu.memory_space<vmem>>, vector<16xi32>,
        tpu.vector_store %arg8[%swap3A], %select_n3A {strides = array<i32>} : memref<800xi32, #tpu.memory_space<vmem>>, vector<16xi32>,
      }
      %scan3A_122 = arith.constant 50 : i32
      %sub3A_123 = arith.constant 2 : i32
      %sub3A_124 = arith.subi %add3A_75, %sub3A_123 : i32
      %mul3A_125 = arith.constant 25600 : i32
      %mul3A_126 = arith.muli %add3A, %mul3A_125 : i32
      %mul3A_127 = arith.constant 800 : i32
      %mul3A_128 = arith.muli %sub3A_124, %mul3A_127 : i32
      %add3A_129 = arith.addi %mul3A_126, %mul3A_128 : i32
      %dma_wait3A_130 = arith.constant 0 : i32
      %dma_wait3A_131 = tpu.memref_slice %arg4[%add3A_129, %dma_wait3A_130] : memref<819200x64xf32, #tpu.memory_space<hbm>> -> memref<800x64xf32, #tpu.memory_space<hbm>>
      %dma_wait3A_132 = arith.constant 0 : i32
      %dma_wait3A_133 = tpu.memref_slice %arg4[%add3A_129, %dma_wait3A_132] : memref<819200x64xf32, #tpu.memory_space<hbm>> -> memref<800x64xf32, #tpu.memory_space<hbm>>
      tpu.wait_dma2 semaphore(%arg14 : memref<!tpu.dma_semaphore, #tpu.memory_space<semaphore_mem>>) src(%arg10 : memref<800x64xf32, #tpu.memory_space<vmem>>) dst(%dma_wait3A_133 : memref<800x64xf32, #tpu.memory_space<hbm>>)
      %dma_start3A_134 = arith.constant 0 : i32
      %dma_start3A_135 = arith.constant 0 : i32
      %dma_start3A_136 = tpu.memref_slice %arg3[%dma_start3A_134, %dma_start3A_135] : memref<275600x64xf32, #tpu.memory_space<hbm>> -> memref<275600x64xf32, #tpu.memory_space<hbm>>
      tpu.enqueue_indirect_dma source(%dma_start3A_136 : memref<275600x64xf32, #tpu.memory_space<hbm>>) target(%arg10 : memref<800x64xf32, #tpu.memory_space<vmem>>) offsets(%arg8 : memref<800xi32, #tpu.memory_space<vmem>>) semaphore(%arg12 : memref<!tpu.dma_semaphore, #tpu.memory_space<semaphore_mem>>)
      %dma_wait3A_137 = arith.constant 0 : i32
      %dma_wait3A_138 = arith.constant 0 : i32
      %dma_wait3A_139 = tpu.memref_slice %arg3[%dma_wait3A_137, %dma_wait3A_138] : memref<275600x64xf32, #tpu.memory_space<hbm>> -> memref<275600x64xf32, #tpu.memory_space<hbm>>
      tpu.wait_indirect_dma semaphore(%arg11 : memref<!tpu.dma_semaphore, #tpu.memory_space<semaphore_mem>>) src(%dma_wait3A_139 : memref<275600x64xf32, #tpu.memory_space<hbm>>) dst(%arg9 : memref<800x64xf32, #tpu.memory_space<vmem>>)
      %mul3A_140 = arith.constant 25600 : i32
      %mul3A_141 = arith.muli %add3A, %mul3A_140 : i32
      %mul3A_142 = arith.constant 800 : i32
      %mul3A_143 = arith.muli %mul3A_71, %mul3A_142 : i32
      %add3A_144 = arith.addi %mul3A_141, %mul3A_143 : i32
      %dma_start3A_145 = arith.constant 0 : i32
      %dma_start3A_146 = tpu.memref_slice %arg4[%add3A_144, %dma_start3A_145] : memref<819200x64xf32, #tpu.memory_space<hbm>> -> memref<800x64xf32, #tpu.memory_space<hbm>>
      %dma_start3A_147 = arith.constant 0 : i32
      %dma_start3A_148 = tpu.memref_slice %arg4[%add3A_144, %dma_start3A_147] : memref<819200x64xf32, #tpu.memory_space<hbm>> -> memref<800x64xf32, #tpu.memory_space<hbm>>
      tpu.enqueue_dma source(%arg9 : memref<800x64xf32, #tpu.memory_space<vmem>>) target(%dma_start3A_148 : memref<800x64xf32, #tpu.memory_space<hbm>>) target_semaphore(%arg13 : memref<!tpu.dma_semaphore, #tpu.memory_space<semaphore_mem>>)
    }
    %scan3A_41 = arith.constant 15 : i32
    %dma_wait3A_42 = arith.constant 0 : i32
    %dma_wait3A_43 = arith.constant 0 : i32
    %dma_wait3A_44 = tpu.memref_slice %arg3[%dma_wait3A_42, %dma_wait3A_43] : memref<275600x64xf32, #tpu.memory_space<hbm>> -> memref<275600x64xf32, #tpu.memory_space<hbm>>
    tpu.wait_indirect_dma semaphore(%arg12 : memref<!tpu.dma_semaphore, #tpu.memory_space<semaphore_mem>>) src(%dma_wait3A_44 : memref<275600x64xf32, #tpu.memory_space<hbm>>) dst(%arg10 : memref<800x64xf32, #tpu.memory_space<vmem>>)
    %mul3A_45 = arith.constant 25600 : i32
    %mul3A_46 = arith.muli %add3A, %mul3A_45 : i32
    %add3A_47 = arith.constant 24800 : i32
    %add3A_48 = arith.addi %mul3A_46, %add3A_47 : i32
    %dma_start3A_49 = arith.constant 0 : i32
    %dma_start3A_50 = tpu.memref_slice %arg4[%add3A_48, %dma_start3A_49] : memref<819200x64xf32, #tpu.memory_space<hbm>> -> memref<800x64xf32, #tpu.memory_space<hbm>>
    %dma_start3A_51 = arith.constant 0 : i32
    %dma_start3A_52 = tpu.memref_slice %arg4[%add3A_48, %dma_start3A_51] : memref<819200x64xf32, #tpu.memory_space<hbm>> -> memref<800x64xf32, #tpu.memory_space<hbm>>
    tpu.enqueue_dma source(%arg10 : memref<800x64xf32, #tpu.memory_space<vmem>>) target(%dma_start3A_52 : memref<800x64xf32, #tpu.memory_space<hbm>>) target_semaphore(%arg14 : memref<!tpu.dma_semaphore, #tpu.memory_space<semaphore_mem>>)
    %mul3A_53 = arith.constant 25600 : i32
    %mul3A_54 = arith.muli %add3A, %mul3A_53 : i32
    %add3A_55 = arith.constant 24000 : i32
    %add3A_56 = arith.addi %mul3A_54, %add3A_55 : i32
    %dma_wait3A_57 = arith.constant 0 : i32
    %dma_wait3A_58 = tpu.memref_slice %arg4[%add3A_56, %dma_wait3A_57] : memref<819200x64xf32, #tpu.memory_space<hbm>> -> memref<800x64xf32, #tpu.memory_space<hbm>>
    %dma_wait3A_59 = arith.constant 0 : i32
    %dma_wait3A_60 = tpu.memref_slice %arg4[%add3A_56, %dma_wait3A_59] : memref<819200x64xf32, #tpu.memory_space<hbm>> -> memref<800x64xf32, #tpu.memory_space<hbm>>
    tpu.wait_dma2 semaphore(%arg13 : memref<!tpu.dma_semaphore, #tpu.memory_space<semaphore_mem>>) src(%arg9 : memref<800x64xf32, #tpu.memory_space<vmem>>) dst(%dma_wait3A_60 : memref<800x64xf32, #tpu.memory_space<hbm>>)
    %mul3A_61 = arith.constant 25600 : i32
    %mul3A_62 = arith.muli %add3A, %mul3A_61 : i32
    %add3A_63 = arith.constant 24800 : i32
    %add3A_64 = arith.addi %mul3A_62, %add3A_63 : i32
    %dma_wait3A_65 = arith.constant 0 : i32
    %dma_wait3A_66 = tpu.memref_slice %arg4[%add3A_64, %dma_wait3A_65] : memref<819200x64xf32, #tpu.memory_space<hbm>> -> memref<800x64xf32, #tpu.memory_space<hbm>>
    %dma_wait3A_67 = arith.constant 0 : i32
    %dma_wait3A_68 = tpu.memref_slice %arg4[%add3A_64, %dma_wait3A_67] : memref<819200x64xf32, #tpu.memory_space<hbm>> -> memref<800x64xf32, #tpu.memory_space<hbm>>
    tpu.wait_dma2 semaphore(%arg14 : memref<!tpu.dma_semaphore, #tpu.memory_space<semaphore_mem>>) src(%arg10 : memref<800x64xf32, #tpu.memory_space<vmem>>) dst(%dma_wait3A_68 : memref<800x64xf32, #tpu.memory_space<hbm>>)
    return
  }
}

</mosaic_0001>

<sc_bundles>
// kernel: kernel.3.cloned.1.call-start
scs
__scs_entry_jumppad:
0x0: {  	(pc) =	sbr.rel $0x88, $3  }
0x1: {  	(tag) =	ssettag $0x0;
	lr =	simm.s32 $0x1  }
0x2: {  	[smem:$0x3F9F] =	sst lr;
	_ =	strace $0xD0000000  }
0x3: {  	_ = 	snop  }
0x4: {  	_ = 	snop  }
0x5: {  	_ = 	snop  }
0x6: {  	_ = 	snop  }
0x7: {  	_ = 	snop  }
__scs_overlays_trampoline_lowered:
0x8: {  	[smem:$0x3FAE] =	sst s0  }
0x9: {  	[smem:$0x3FAF] =	sst s1  }
0xa: {  	[smem:$0x3FB0] =	sst s2  }
0xb: {  	[smem:$0x3FB1] =	sst s3  }
0xc: {  	[smem:$0x3FB2] =	sst s4  }
0xd: {  	[smem:$0x3FB3] =	sst s5  }
0xe: {  	[smem:$0x3FB4] =	sst s6  }
0xf: {  	[smem:$0x3FB5] =	sst s7  }
0x10: {  	[smem:$0x3FB6] =	sst s8  }
0x11: {  	[smem:$0x3FB7] =	sst s9;
	s0 =	simm.s32 @!p0 $0x0  }
0x12: {  	s1 =	sld [smem:$0x3F9D];
	s0 =	simm.s32 @p0 $0x1  }
0x13: {  	[smem:$0x3FB8] =	sst s0;
	s0 =	simm.s32 @!p1 $0x0  }
0x14: {  	s2 =	sld [smem:$0x3F9C];
	s0 =	simm.s32 @p1 $0x1  }
0x15: {  	[smem:$0x3FB9] =	sst s0;
	s0 =	simm.s32 @!p2 $0x0  }
0x16: {  	s3 =	sld [smem:$0x3FDB];
	s0 =	simm.s32 @p2 $0x1  }
0x17: {  	s4 =	simm.s32 $0x1BF5;
	[smem:$0x3FBB] =	sst s0  }
0x18: {  	s0 =	sld [smem:$0x3F9E];
	_ =	swait.ge [sflag:s4], $0x0  }
0x19: {  	s7 =	sld [smem:$0x3F9F]  }
0x1a: {  	s8 =	sadd.s32 $0xFFFFE003, lr  }
0x1b: {  	s9 =	sadd.s32 $0xFFFFFEF7, lr;
	s5 =	simm.s32 $0xFFFFFFFF;
	p2 =	slt.u32 s8, $0xFFFFF086  }
0x1c: {  	p1 =	slt.u32 s9, $0xF7A;
	s5 =	simm.s32 @!p2 $0x0  }
0x1d: {  	s5 =	simm.s32 @p1 $0x1;
	p0 =	seq.s32 s7, s2  }
0x1e: {  	s7 =	smul.u32 @!p0 $0xF7A, s2;
	p2 =	seq.s32 @!p0 s5, $0x0  }
0x1f: {  	s9 =	smul.u32 $0xF7A, s1;
	s8 =	simm.s32 @!p0 $0x1BF5;
	p2 =	por !p2, p0  }
0x20: {  	[sflag:s8] =	ssyncset.s32 @!p0 $0xFFFFF086;
	s6 =	sadd.s32 @!p0 s3, s7;
	s7 =	simm.s32 @!p0 $0x108  }
0x21: {  	s3 =	sadd.s32 s3, s9;
	s6 =	sadd.s32 @!p0 $0x88, s6;
	s7 =	simm.s32 @p2 $0x1082  }
0x22: {  	[simem:s7], [sflag:s8] =	dma.local @!p0 [hbm:s6], $0xF7A  }
0x23: {  	s9 =	sor.u32 $0xD0000000, s2;
	s6 =	simm.s32 $0x108;
	_ =	swait.ge @!p0 [sflag:s8], $0x0  }
0x24: {  	s3 =	sadd.s32 $0x88, s3;
	s6 =	simm.s32 @!p1 $0x1082;
	[sflag:s4] =	ssyncset.s32 $0xFFFFF086  }
0x25: {  	[simem:s6], [sflag:s4] =	dma.local [hbm:s3], $0xF7A  }
0x26: {  	[smem:$0x3F9F] =	sst s1;
	(tag) =	ssettag s2;
	_ =	strace s9  }
0x27: {  	s1 =	sld [smem:$0x3FAF]  }
0x28: {  	s2 =	sld [smem:$0x3FB0]  }
0x29: {  	s4 =	sld [smem:$0x3FB2]  }
0x2a: {  	p0 =	seq.s32 s5, $0x0;
	s5 =	sld [smem:$0x3FB3]  }
0x2b: {  	s6 =	sld [smem:$0x3FB4]  }
0x2c: {  	s7 =	sld [smem:$0x3FB5]  }
0x2d: {  	s3 =	simm.s32 $0x108;
	s8 =	sld [smem:$0x3FB6]  }
0x2e: {  	s3 =	simm.s32 @!p0 $0x1082;
	s9 =	sld [smem:$0x3FB7]  }
0x2f: {  	lr =	sadd.s32 s0, s3;
	s0 =	sld [smem:$0x3FAE]  }
0x30: {  	s3 =	sld [smem:$0x3FB1]  }
0x31: {  	[smem:$0x3FBA] =	sst s10  }
0x32: {  	s10 =	sld [smem:$0x3FB8];
	_ =	sdelay $0x3  }
0x33: {  	p0 =	seq.s32 s10, $0x1;
	s10 =	sld [smem:$0x3FBA];
	_ =	sdelay $0x3  }
0x34: {  	[smem:$0x3FBA] =	sst s10  }
0x35: {  	s10 =	sld [smem:$0x3FB9];
	_ =	sdelay $0x3  }
0x36: {  	p1 =	seq.s32 s10, $0x1;
	s10 =	sld [smem:$0x3FBA];
	_ =	sdelay $0x3  }
0x37: {  	[smem:$0x3FBA] =	sst s10  }
0x38: {  	s10 =	sld [smem:$0x3FBB]  }
0x39: {  	_ = 	snop;
	(pc) =	sbr.ind lr, $3  }
0x3a: {  	_ = 	snop  }
0x3b: {  	_ = 	snop  }
0x3c: {  	p2 =	seq.s32 s10, $0x1;
	s10 =	sld [smem:$0x3FBA]  }
0x3d: {  	_ =	shalt  }
0x3e: {  	_ =	shalt  }
0x3f: {  	_ =	shalt  }
0x40: {  	_ =	shalt  }
0x41: {  	_ =	shalt  }
0x42: {  	_ =	shalt  }
0x43: {  	_ =	shalt  }
0x44: {  	_ =	shalt  }
0x45: {  	_ =	shalt  }
0x46: {  	_ =	shalt  }
0x47: {  	_ =	shalt  }
0x48: {  	_ =	shalt  }
0x49: {  	_ =	shalt  }
0x4a: {  	_ =	shalt  }
0x4b: {  	_ =	shalt  }
0x4c: {  	_ =	shalt  }
0x4d: {  	_ =	shalt  }
0x4e: {  	_ =	shalt  }
0x4f: {  	_ =	shalt  }
0x50: {  	_ =	shalt  }
0x51: {  	_ =	shalt  }
0x52: {  	_ =	shalt  }
0x53: {  	_ =	shalt  }
0x54: {  	_ =	shalt  }
0x55: {  	_ =	shalt  }
0x56: {  	_ =	shalt  }
0x57: {  	_ =	shalt  }
0x58: {  	_ =	shalt  }
0x59: {  	_ =	shalt  }
0x5a: {  	_ =	shalt  }
0x5b: {  	_ =	shalt  }
0x5c: {  	_ =	shalt  }
0x5d: {  	_ =	shalt  }
0x5e: {  	_ =	shalt  }
0x5f: {  	_ =	shalt  }
0x60: {  	_ =	shalt  }
0x61: {  	_ =	shalt  }
0x62: {  	_ =	shalt  }
0x63: {  	_ =	shalt  }
0x64: {  	_ =	shalt  }
0x65: {  	_ =	shalt  }
0x66: {  	_ =	shalt  }
0x67: {  	_ =	shalt  }
0x68: {  	_ =	shalt  }
0x69: {  	_ =	shalt  }
0x6a: {  	_ =	shalt  }
0x6b: {  	_ =	shalt  }
0x6c: {  	_ =	shalt  }
0x6d: {  	_ =	shalt  }
0x6e: {  	_ =	shalt  }
0x6f: {  	_ =	shalt  }
0x70: {  	_ =	shalt  }
0x71: {  	_ =	shalt  }
0x72: {  	_ =	shalt  }
0x73: {  	_ =	shalt  }
0x74: {  	_ =	shalt  }
0x75: {  	_ =	shalt  }
0x76: {  	_ =	shalt  }
0x77: {  	_ =	shalt  }
0x78: {  	_ =	shalt  }
0x79: {  	_ =	shalt  }
0x7a: {  	_ =	shalt  }
0x7b: {  	_ =	shalt  }
0x7c: {  	_ =	shalt  }
0x7d: {  	_ =	shalt  }
0x7e: {  	_ =	shalt  }
0x7f: {  	_ =	shalt  }
0x80: {  	_ =	shalt  }
0x81: {  	_ =	shalt  }
0x82: {  	_ =	shalt  }
0x83: {  	_ =	shalt  }
0x84: {  	_ =	shalt  }
0x85: {  	_ =	shalt  }
0x86: {  	_ =	shalt  }
0x87: {  	_ =	shalt  }
.Lfunc_end0:
.L_simem_size_0:
called_computation.1_lowered:
.L_overlay_start_0:
0x88: {  	s2 =	sld [smem:$0x3FD9]  }
0x89: {  	s3 =	sld [smem:$0x3FFE];
	_ =	sdelay $0x1  }
0x8a: {  	s1 =	srdreg.scid  }
0x8b: {  	s0 =	sand.u32 $0x1, s1  }
0x8c: {  	s17 =	sshll.u32 s0, $0xA;
	s2 =	sadd.s32 s3, s2  }
0x8d: {  	s2 =	sadd.s32 s2, s17  }
0x8e: {  	[smem:$0x3FC6] =	sst s2  }
0x8f: {  	_ = 	snop  }
0x90: {  	s2 =	sld [smem:$0x3FD0];
	(tm) =	ssettm $0x1  }
0x91: {  	s18 =	sld [smem:$0x3FFB];
	_ =	sdelay $0x3  }
0x92: {  	_ =	strace s18  }
0x93: {  	s3 =	sld [smem:$0x3FFC];
	_ =	sdelay $0x3  }
0x94: {  	_ =	strace s3  }
0x95: {  	s3 =	sld [smem:$0x3FFD];
	_ =	sdelay $0x3  }
0x96: {  	_ =	strace s3  }
0x97: {  	_ =	strace $0x8FFFFFFF  }
0x98: {  	s19 =	sld [smem:$0x3FDB];
	_ =	sdelay $0x1  }
0x99: {  	s4 =	simm.s32 $_scs_section_size  }
0x9a: {  	s5 =	simm.s32 $_size__tile_overlayer_lowered;
	s6 =	simm.s32 $_tile_overlayer_lowered  }
0x9b: {  	s22 =	simm.s32 $0x1BFF;
	s21 =	sshll.u32 s6, $0x1;
	s3 =	sadd.s32 s4, s19  }
0x9c: {  	s7 =	simm.s32 $0x0;
	s20 =	sshll.u32 s5, $0x1;
	s5 =	sadd.s32 s21, s3  }
0x9d: {  	[timem:s7], [sflag:s22] =	dma.local [hbm:s5], s20  }
0x9e: {  	_ =	swait.ge [sflag:s22], s20  }
0x9f: {  	s4 =	ssub.s32 $0x0, s20;
	[sflag:s22] =	ssyncset.done $0x0  }
0xa0: {  	[sflag:s22] =	ssyncadd.s32 s4;
	_ =	sdelay $0x1  }
0xa1: {  	s23 =	simm.s32 $0x1B8B  }
0xa2: {  	_ =	swait.ge [sflag:s23], $0x1  }
0xa3: {  	[sflag:s23] =	ssyncset.done $0x0  }
0xa4: {  	s25 =	simm.s32 $0x1B8E;
	s24 =	sld [smem:$0x3FFE];
	[sflag:s23] =	ssyncadd.s32 $0xFFFFFFFF  }
0xa5: {  	s26 =	simm.s32 $execute0_lowered;
	[smem:$0x3FD2] =	sst s25  }
0xa6: {  	s5 =	sshll.u32 s26, $0x1;
	_ =	strace $0x80000046;
	[dreg:$0x1] =	wrdreg $0xFFFFFFFF  }
0xa7: {  	s28 =	simm.s32 $_size_execute0_lowered;
	s3 =	sadd.s32 s3, s5;
	[dreg:$0x0] =	wrdreg $0x0  }
0xa8: {  	s5 =	sshll.u32 s28, $0x1;
	[dreg:$0x2] =	wrdreg s3  }
0xa9: {  	[dreg:$0x3] =	wrdreg s5  }
0xaa: {  	[dreg:$0x4] =	wrdreg $0xC0  }
0xab: {  	_ =	task [dreg:s7], $0x5FFFF  }
0xac: {  	[dreg:$0x1] =	wrdreg $0xFFFFFFFF  }
0xad: {  	[dreg:$0x0] =	wrdreg $0x60  }
0xae: {  	[dreg:$0x2] =	wrdreg s24  }
0xaf: {  	[dreg:$0x3] =	wrdreg s2  }
0xb0: {  	[dreg:$0x4] =	wrdreg $0x9  }
0xb1: {  	_ =	task.clear_ibuf [dreg:s7], $0x5FFFF;
	_ =	strace $0x90000046  }
0xb2: {  	s29 =	simm.s32 $0x9;
	_ =	strace $0x80000048  }
0xb3: {  	_ =	swait.ge [sflag:s29], $0x1  }
0xb4: {  	[sflag:s29] =	ssyncadd.s32 $0xFFFFFFFF  }
0xb5: {  	_ =	strace $0x90000048  }
0xb6: {  	_ =	sfence  }
0xb7: {  	s30 =	sld [smem:$0x0];
	_ =	sdelay $0x2  }
0xb8: {  	s31 =	sshll.u32 s1, $0xD;
	s1 =	sshrl.u32 s1, $0x2  }
0xb9: {  	s3 =	sand.u32 $0x4000, s31;
	s1 =	sadd.s32 s1, s30  }
0xba: {  	s0 =	sor.u32 s3, s0;
	s1 =	sshll.u32 s1, $0x11  }
0xbb: {  	s0 =	sor.u32 s1, s0  }
0xbc: {  	s0 =	sadd.s32 $0x8F2B, s0  }
0xbd: {  	[sflag:s0] =	ssyncadd.remote.s32 $0x1  }
0xbe: {  	_ =	sfence.sel $0xFFFF  }
0xbf: {  	[dreg:$0x0] =	wrdreg $0xFFFFFFFF;
	(pc) =	sbr.abs _section_cstart, $3  }
0xc0: {  	[dreg:$0x1] =	wrdreg $0xFFFFFFFF  }
0xc1: {  	_ =	task.clear_ibuf [dreg:s7], $0x2FFFF;
	_ =	strace $0x9FFFFFFF  }
0xc2: {  	(tm) =	ssettm $0x7FFFFFFF  }
0xc3: {  	_ =	shalt  }
tec
execute0_lowered:
.L_overlay_start_1:
0x0: {  	(tag) =	ssettag $0x1  }
0x1: {  	s1 =	rddreg [dreg:$0x0];
	s3 =	srdreg.scid  }
0x2: {  	s0 =	stileid.u32;
	s2 =	rddreg [dreg:$0x1]  }
0x3: {  	s16 =	simm.s32 $0x320;
	s17 =	simm.s32 $0x640;
	s18 =	simm.s32 $0xC80  }
0x4: {  	s19 =	simm.s32 $0x960;
	s20 =	simm.s32 $0xD480;
	s21 =	simm.s32 $0x3  }
0x5: {  	s22 =	simm.s32 $0x2;
	s23 =	simm.s32 $0x4;
	s24 =	simm.s32 $0x1  }
0x6: {  	s25 =	simm.s32 $0x0;
	s10 =	sand.u32 $0x1, s3;
	s4 =	sshll.u32 s0, $0x1  }
0x7: {  	s3 =	simm.s32 $0x0;
	s5 =	sadd.s32 $0x800, s1;
	s14 =	smul.u32 $0x640, s0  }
0x8: {  	s6 =	sadd.s32 $0x19800, s1;
	s8 =	sor.u32 s10, s4;
	s15 =	smul.u32 $0x320, s10  }
0x9: {  	[smem:$0x7FF] =	sst s3;
	s30 =	ssub.s32 $0x2, s10;
	s4 =	smul.u32 $0x6400, s8  }
0xa: {  	_ =	strace $0x80000047;
	s9 =	smul.u32 $0x32000, s8;
	s11 =	sshrl.u32 s30, $0x1  }
0xb: {  	s12 =	smul.u32 $0x190000, s8;
	s1 =	ssub.s32 s30, s11;
	s31 =	sadd.s32 s15, s14  }
0xc: {  	s15 =	simm.s32 $0x5;
	s7 =	sshrl.u32 s4, $0x3;
	s9 =	sadd.s32 s2, s9  }
0xd: {  	s12 =	sshrl.u32 s12, $0x3;
	s10 =	sadd.s32 $0x3FFFCE0, s4;
	s11 =	sor.u32 $0x320, s4  }
0xe: {  	s13 =	smax.u32 s1, $0x1;
	s7 =	sadd.s32 s5, s7;
	s12 =	sadd.s32 s2, s12  }
0xf: {  	v0 =	vlaneseq.u32;
	s14 =	sadd.s32 $0x3D090, s31;
	s8 =	sadd.s32 $0x64, s7;
	s12 =	sadd.s32 $0x30700, s12  }
.LBB2_1:
0x10: {  	[tilespmem:s3], [sflag:$0x5] =	stream.linear.gather [hbm4b:s7+s3], $0x320, $0x38;
	[tilespmem:$0x19C80] =	vst v63  }
0x11: {  	_ =	swait.ge [sflag:s15], $0x320  }
0x12: {  	[sflag:s15] =	ssyncset.done $0x0  }
0x13: {  	s26 =	simm.s32 $0x0;
	[sflag:s15] =	ssyncadd.s32 $0xFFFFFCE0  }
0x14: {  	v1 =	vld [tilespmem:s26+$0x0];
	_ =	sdelay $0x3  }
0x15: {  	s29 =	simm.s32 $0x40;
	s28 =	smov.u32 s14  }
.LBB2_2:
0x16: {  	s1 =	sshra.s32 s29, $0x2;
	p0 =	sne.s32 s29, $0xC40;
	s29 =	sadd.s32 $0x40, s29;
	v2 =	vadd.s32 $0xFFFC2F70, v1  }
.Ltmp0:
0x17: {  	v3 =	vor.u32 s28, v0;
	v1 =	vld [tilespmem:s1+$0x0];
	vm0 =	vlt.u32 v2, $0x3D090;
	(pc) =	sbr.rel @p0 .LBB2_2-.Ltmp0, $3  }
0x18: {  	v2 =	vsel vm0, v2, v3  }
0x19: {  	[tilespmem:s26+$0x640] =	vst v2;
	s26 =	smov.u32 s1;
	_ =	sdelay $0x1  }
0x1a: {  	s28 =	sadd.s32 $0x10, s28  }
0x1b: {  	v1 =	vadd.s32 $0xFFFC2F70, v1  }
0x1c: {  	v2 =	vor.u32 s28, v0;
	vm0 =	vlt.u32 v1, $0x3D090  }
0x1d: {  	v1 =	vsel vm0, v1, v2  }
0x1e: {  	[tilespmem:s26+$0x640] =	vst v1  }
0x1f: {  	[tilespmem:s18], [sflag:$0x1] =	stream.indirect.gather [hbm4b:s6+s16], $0x40, s17, s16, $0xb8;
	[tilespmem:$0x19C80] =	vst v63  }
0x20: {  	s1 =	simm.s32 $0x0  }
0x21: {  	[tilespmem:s16], [sflag:$0x5] =	stream.linear.gather [hbm4b:s8+s1], $0x320, $0x38;
	[tilespmem:$0x19C80] =	vst v63  }
0x22: {  	_ =	swait.ge [sflag:s15], $0x320  }
0x23: {  	[sflag:s15] =	ssyncset.done $0x0  }
0x24: {  	s26 =	simm.s32 $0x0;
	[sflag:s15] =	ssyncadd.s32 $0xFFFFFCE0  }
0x25: {  	v1 =	vld [tilespmem:s26+$0x320];
	_ =	sdelay $0x3  }
0x26: {  	s29 =	simm.s32 $0x40;
	s28 =	smov.u32 s14  }
.LBB2_4:
0x27: {  	s1 =	sshra.s32 s29, $0x2;
	p0 =	sne.s32 s29, $0xC40;
	s29 =	sadd.s32 $0x40, s29;
	v2 =	vadd.s32 $0xFFFC2F70, v1  }
.Ltmp1:
0x28: {  	v3 =	vor.u32 s28, v0;
	v1 =	vld [tilespmem:s1+$0x320];
	vm0 =	vlt.u32 v2, $0x3D090;
	(pc) =	sbr.rel @p0 .LBB2_4-.Ltmp1, $3  }
0x29: {  	v2 =	vsel vm0, v2, v3  }
0x2a: {  	[tilespmem:s26+$0x960] =	vst v2;
	s26 =	smov.u32 s1;
	_ =	sdelay $0x1  }
0x2b: {  	s28 =	sadd.s32 $0x10, s28  }
0x2c: {  	v1 =	vadd.s32 $0xFFFC2F70, v1  }
0x2d: {  	v2 =	vor.u32 s28, v0;
	vm0 =	vlt.u32 v1, $0x3D090  }
0x2e: {  	v1 =	vsel vm0, v1, v2  }
0x2f: {  	[tilespmem:s26+$0x960] =	vst v1;
	s26 =	simm.s32 $0x1  }
0x30: {  	[tilespmem:s20], [sflag:$0x2] =	stream.indirect.gather [hbm4b:s6+s16], $0x40, s19, s16, $0xb8;
	[tilespmem:$0x19C80] =	vst v63  }
0x31: {  	_ =	swait.ge [sflag:s26], $0xC800  }
0x32: {  	[sflag:s26] =	ssyncset.done $0x0  }
0x33: {  	[sflag:s26] =	ssyncadd.s32 $0xFFFF3800  }
0x34: {  	[hbm4b:s9+s3] =	stream.linear.scatter [tilespmem:s18], [sflag:$0x3], $0xC800, $0x38;
	[tilespmem:$0x19C80] =	vst v63  }
.LBB2_6:
0x35: {  	s29 =	smul.u32 $0x640, s26;
	_ =	sdelay $0x1  }
0x36: {  	s28 =	sadd.s32 s4, s29  }
0x37: {  	s1 =	sshrl.u32 s28, $0x3  }
0x38: {  	s30 =	simm.s32 $0x0;
	s1 =	sadd.s32 s5, s1  }
0x39: {  	[tilespmem:s30], [sflag:$0x5] =	stream.linear.gather [hbm4b:s1+s30], $0x320, $0x38;
	[tilespmem:$0x19C80] =	vst v63  }
0x3a: {  	_ =	swait.ge [sflag:s15], $0x320  }
0x3b: {  	[sflag:s15] =	ssyncset.done $0x0  }
0x3c: {  	s30 =	simm.s32 $0x0;
	[sflag:s15] =	ssyncadd.s32 $0xFFFFFCE0  }
0x3d: {  	v1 =	vld [tilespmem:s30+$0x0];
	_ =	sdelay $0x3  }
0x3e: {  	s31 =	smov.u32 s14;
	s1 =	simm.s32 $0x40  }
.LBB2_7:
0x3f: {  	s0 =	sshra.s32 s1, $0x2;
	p0 =	sne.s32 s1, $0xC40;
	s1 =	sadd.s32 $0x40, s1;
	v2 =	vadd.s32 $0xFFFC2F70, v1  }
.Ltmp2:
0x40: {  	v3 =	vor.u32 s31, v0;
	v1 =	vld [tilespmem:s0+$0x0];
	vm0 =	vlt.u32 v2, $0x3D090;
	(pc) =	sbr.rel @p0 .LBB2_7-.Ltmp2, $3  }
0x41: {  	v2 =	vsel vm0, v2, v3  }
0x42: {  	[tilespmem:s30+$0x640] =	vst v2;
	s30 =	smov.u32 s0;
	_ =	sdelay $0x1  }
0x43: {  	s31 =	sadd.s32 $0x10, s31  }
0x44: {  	v1 =	vadd.s32 $0xFFFC2F70, v1  }
0x45: {  	v2 =	vor.u32 s31, v0;
	vm0 =	vlt.u32 v1, $0x3D090  }
0x46: {  	v1 =	vsel vm0, v1, v2  }
0x47: {  	[tilespmem:s30+$0x640] =	vst v1  }
0x48: {  	_ =	swait.ge [sflag:s21], $0xC800  }
0x49: {  	[sflag:s21] =	ssyncset.done $0x0  }
0x4a: {  	s0 =	sadd.s32 s29, s10;
	[sflag:s21] =	ssyncadd.s32 $0xFFFF3800  }
0x4b: {  	[tilespmem:s18], [sflag:$0x1] =	stream.indirect.gather [hbm4b:s6+s16], $0x40, s17, s16, $0xb8;
	[tilespmem:$0x19C80] =	vst v63  }
0x4c: {  	s0 =	sshll.u32 s0, $0x3;
	_ =	swait.ge [sflag:s22], $0xC800  }
0x4d: {  	s1 =	simm.s32 $0x0;
	s0 =	sand.u32 $0x1FFFFF00, s0;
	[sflag:s22] =	ssyncset.done $0x0  }
0x4e: {  	s31 =	sadd.s32 s29, s11;
	s0 =	sadd.s32 s2, s0;
	[sflag:s22] =	ssyncadd.s32 $0xFFFF3800  }
0x4f: {  	[hbm4b:s0+s1] =	stream.linear.scatter [tilespmem:s20], [sflag:$0x4], $0xC800, $0x38;
	[tilespmem:$0x19C80] =	vst v63  }
0x50: {  	s0 =	sshrl.u32 s31, $0x3  }
0x51: {  	s0 =	sadd.s32 s5, s0  }
0x52: {  	[tilespmem:s16], [sflag:$0x5] =	stream.linear.gather [hbm4b:s0+s1], $0x320, $0x38;
	[tilespmem:$0x19C80] =	vst v63  }
0x53: {  	_ =	swait.ge [sflag:s15], $0x320  }
0x54: {  	[sflag:s15] =	ssyncset.done $0x0  }
0x55: {  	s29 =	simm.s32 $0x0;
	[sflag:s15] =	ssyncadd.s32 $0xFFFFFCE0  }
0x56: {  	v1 =	vld [tilespmem:s29+$0x320];
	_ =	sdelay $0x3  }
0x57: {  	s30 =	smov.u32 s14;
	s1 =	simm.s32 $0x40  }
.LBB2_9:
0x58: {  	s0 =	sshra.s32 s1, $0x2;
	p0 =	sne.s32 s1, $0xC40;
	s1 =	sadd.s32 $0x40, s1;
	v2 =	vadd.s32 $0xFFFC2F70, v1  }
.Ltmp3:
0x59: {  	v3 =	vor.u32 s30, v0;
	v1 =	vld [tilespmem:s0+$0x320];
	vm0 =	vlt.u32 v2, $0x3D090;
	(pc) =	sbr.rel @p0 .LBB2_9-.Ltmp3, $3  }
0x5a: {  	v2 =	vsel vm0, v2, v3  }
0x5b: {  	[tilespmem:s29+$0x960] =	vst v2;
	s29 =	smov.u32 s0;
	_ =	sdelay $0x1  }
0x5c: {  	s30 =	sadd.s32 $0x10, s30  }
0x5d: {  	v1 =	vadd.s32 $0xFFFC2F70, v1  }
0x5e: {  	v2 =	vor.u32 s30, v0;
	vm0 =	vlt.u32 v1, $0x3D090  }
0x5f: {  	v1 =	vsel vm0, v1, v2  }
0x60: {  	[tilespmem:s29+$0x960] =	vst v1  }
0x61: {  	_ =	swait.ge [sflag:s23], $0xC800  }
0x62: {  	s26 =	sadd.s32 $0x1, s26;
	[sflag:s23] =	ssyncset.done $0x0  }
0x63: {  	p0 =	sne.s32 s26, $0x10;
	[sflag:s23] =	ssyncadd.s32 $0xFFFF3800  }
0x64: {  	[tilespmem:s20], [sflag:$0x2] =	stream.indirect.gather [hbm4b:s6+s16], $0x40, s19, s16, $0xb8;
	[tilespmem:$0x19C80] =	vst v63  }
.Ltmp4:
0x65: {  	_ = 	snop;
	(pc) =	sbr.rel @p0 .LBB2_6-.Ltmp4, $4  }
0x66: {  	s0 =	sshll.u32 s28, $0x3;
	_ =	swait.ge [sflag:s24], $0xC800  }
0x67: {  	s0 =	sand.u32 $0x1FFFFE00, s0;
	[sflag:s24] =	ssyncset.done $0x0  }
0x68: {  	s0 =	sadd.s32 s2, s0;
	[sflag:s24] =	ssyncadd.s32 $0xFFFF3800  }
0x69: {  	[hbm4b:s0+s3] =	stream.linear.scatter [tilespmem:s18], [sflag:$0x3], $0xC800, $0x38;
	[tilespmem:$0x19C80] =	vst v63  }
0x6a: {  	_ =	swait.ge [sflag:s22], $0xC800  }
0x6b: {  	[sflag:s22] =	ssyncset.done $0x0  }
0x6c: {  	s25 =	sadd.s32 $0x1, s25;
	[sflag:s22] =	ssyncadd.s32 $0xFFFF3800  }
0x6d: {  	[hbm4b:s12+s3] =	stream.linear.scatter [tilespmem:s20], [sflag:$0x4], $0xC800, $0x38;
	[tilespmem:$0x19C80] =	vst v63  }
0x6e: {  	p0 =	sne.s32 s25, s13;
	_ =	swait.ge [sflag:s21], $0xC800  }
.Ltmp5:
0x6f: {  	[sflag:s21] =	ssyncset.done $0x0;
	(pc) =	sbr.rel @p0 .LBB2_1-.Ltmp5, $4  }
0x70: {  	[sflag:s21] =	ssyncadd.s32 $0xFFFF3800  }
0x71: {  	_ =	swait.ge [sflag:s23], $0xC800  }
0x72: {  	[sflag:s23] =	ssyncset.done $0x0  }
0x73: {  	[sflag:s23] =	ssyncadd.s32 $0xFFFF3800  }
0x74: {  	_ =	sfence.sel $0x180000  }
0x75: {  	[bflag:$0x0] =	sbarrier.arrive $0xFFFF  }
0x76: {  	_ =	strace $0x90000047  }
0x77: {  	s0 =	stileid.u32;
	[bflag:$0x2] =	sbarrier.arrive $0xFFFF  }
0x78: {  	p0 =	sne.s32 s0, $0x0;
	s0 =	rddreg [dreg:$0x2]  }
0x79: {  	s0 =	sadd.s32 @!p0 $0x100000, s0  }
0x7a: {  	[sflag:s0] =	ssyncadd.tile.s32 @!p0 $0x1;
	_ =	shalt  }
.Lfunc_end2:
_tile_overlayer_lowered:
.L_overlay_start_2:
0x7b: {  	(tag) =	ssettag $0x2  }
0x7c: {  	s0 =	rddreg [dreg:$0x0];
	s2 =	stileid.u32  }
0x7d: {  	s1 =	rddreg [dreg:$0x1];
	p0 =	sne.s32 s2, $0x0  }
0x7e: {  	s3 =	rddreg [dreg:$0x2];
	[bflag:$0x3] =	sbarrier.arrive $0xFFFF;
	s2 =	simm.s32 @!p0 $0x1C05  }
0x7f: {  	[timem:s3], [sflag:s2] =	dma.local @!p0 [hbm:s0], s1  }
0x80: {  	s0 =	simm.s32 @!p0 $0x5  }
0x81: {  	_ =	swait.ge @!p0 [sflag:s0], s1  }
0x82: {  	s1 =	ssub.s32 @!p0 $0x0, s1;
	[sflag:s0] =	ssyncset.done @!p0 $0x0  }
0x83: {  	[sflag:s0] =	ssyncadd.s32 @!p0 s1  }
0x84: {  	[bflag:$0x3] =	sbarrier.arrive $0xFFFF  }
0x85: {  	_ =	shalt  }

// kernel: sparse-core-data-format-call.cloned.1.call-start
scs
called_computation_lowered:
.L_overlay_start_0:
0x0: {  	s2 =	sld [smem:$0x3FD9]  }
0x1: {  	s3 =	sld [smem:$0x3FFE];
	_ =	sdelay $0x1  }
0x2: {  	s1 =	srdreg.scid  }
0x3: {  	s0 =	sand.u32 $0x1, s1  }
0x4: {  	s18 =	sshll.u32 s0, $0xA;
	s2 =	sadd.s32 s3, s2  }
0x5: {  	s2 =	sadd.s32 s2, s18  }
0x6: {  	[smem:$0x3FC6] =	sst s2  }
0x7: {  	_ = 	snop  }
0x8: {  	s2 =	sld [smem:$0x3FD0];
	(tm) =	ssettm $0x1  }
0x9: {  	s19 =	sld [smem:$0x3FFB];
	_ =	sdelay $0x3  }
0xa: {  	_ =	strace s19  }
0xb: {  	s3 =	sld [smem:$0x3FFC];
	_ =	sdelay $0x3  }
0xc: {  	_ =	strace s3  }
0xd: {  	s3 =	sld [smem:$0x3FFD];
	_ =	sdelay $0x3  }
0xe: {  	_ =	strace s3  }
0xf: {  	_ =	strace $0x8FFFFFFF  }
0x10: {  	s20 =	sld [smem:$0x3FDB];
	_ =	sdelay $0x1  }
0x11: {  	s4 =	simm.s32 $_scs_section_size  }
0x12: {  	s5 =	simm.s32 $_size__tile_overlayer_lowered;
	s6 =	simm.s32 $_tile_overlayer_lowered  }
0x13: {  	s23 =	simm.s32 $0x1BFF;
	s22 =	sshll.u32 s6, $0x1;
	s3 =	sadd.s32 s4, s20  }
0x14: {  	s7 =	simm.s32 $0x0;
	s21 =	sshll.u32 s5, $0x1;
	s5 =	sadd.s32 s22, s3  }
0x15: {  	[timem:s7], [sflag:s23] =	dma.local [hbm:s5], s21  }
0x16: {  	_ =	swait.ge [sflag:s23], s21  }
0x17: {  	s4 =	ssub.s32 $0x0, s21;
	[sflag:s23] =	ssyncset.done $0x0  }
0x18: {  	[sflag:s23] =	ssyncadd.s32 s4;
	_ =	sdelay $0x1  }
0x19: {  	s24 =	simm.s32 $0x1B8B  }
0x1a: {  	_ =	swait.ge [sflag:s24], $0x1  }
0x1b: {  	[sflag:s24] =	ssyncset.done $0x0  }
0x1c: {  	s26 =	simm.s32 $0x1B8E;
	s25 =	sld [smem:$0x3FFE];
	[sflag:s24] =	ssyncadd.s32 $0xFFFFFFFF  }
0x1d: {  	s27 =	simm.s32 $execute0_lowered;
	[smem:$0x3FD2] =	sst s26  }
0x1e: {  	s5 =	sshll.u32 s27, $0x1;
	_ =	strace $0x80000049;
	[dreg:$0x1] =	wrdreg $0xFFFFFFFF  }
0x1f: {  	s28 =	simm.s32 $_size_execute0_lowered;
	s3 =	sadd.s32 s3, s5;
	[dreg:$0x0] =	wrdreg $0x0  }
0x20: {  	s5 =	sshll.u32 s28, $0x1;
	[dreg:$0x2] =	wrdreg s3  }
0x21: {  	[dreg:$0x3] =	wrdreg s5  }
0x22: {  	[dreg:$0x4] =	wrdreg $0xC0  }
0x23: {  	_ =	task [dreg:s7], $0x5FFFF  }
0x24: {  	[dreg:$0x1] =	wrdreg $0xFFFFFFFF  }
0x25: {  	[dreg:$0x0] =	wrdreg $0x60  }
0x26: {  	[dreg:$0x2] =	wrdreg s25  }
0x27: {  	[dreg:$0x3] =	wrdreg s2  }
0x28: {  	[dreg:$0x4] =	wrdreg $0x9  }
0x29: {  	_ =	task.clear_ibuf [dreg:s7], $0x5FFFF;
	_ =	strace $0x90000049  }
0x2a: {  	s29 =	simm.s32 $0x9;
	_ =	strace $0x8000004B  }
0x2b: {  	_ =	swait.ge [sflag:s29], $0x1  }
0x2c: {  	[sflag:s29] =	ssyncadd.s32 $0xFFFFFFFF  }
0x2d: {  	_ =	strace $0x9000004B  }
0x2e: {  	_ =	sfence  }
0x2f: {  	s30 =	sld [smem:$0x0];
	_ =	sdelay $0x2  }
0x30: {  	s31 =	sshll.u32 s1, $0xD;
	s1 =	sshrl.u32 s1, $0x2  }
0x31: {  	s3 =	sand.u32 $0x4000, s31;
	s1 =	sadd.s32 s1, s30  }
0x32: {  	s0 =	sor.u32 s3, s0;
	s1 =	sshll.u32 s1, $0x11  }
0x33: {  	s0 =	sor.u32 s1, s0  }
0x34: {  	s0 =	sadd.s32 $0x8F2B, s0  }
0x35: {  	[sflag:s0] =	ssyncadd.remote.s32 $0x1  }
0x36: {  	_ =	sfence.sel $0xFFFF  }
0x37: {  	[dreg:$0x0] =	wrdreg $0xFFFFFFFF;
	(pc) =	sbr.abs _section_cstart, $3  }
0x38: {  	[dreg:$0x1] =	wrdreg $0xFFFFFFFF  }
0x39: {  	_ =	task.clear_ibuf [dreg:s7], $0x2FFFF;
	_ =	strace $0x9FFFFFFF  }
0x3a: {  	(tm) =	ssettm $0x7FFFFFFF  }
0x3b: {  	_ =	shalt  }
tec
execute0_lowered:
.L_overlay_start_1:
0x0: {  	(tag) =	ssettag $0x1  }
0x1: {  	s0 =	srdreg.scid  }
0x2: {  	s1 =	sshll.u32 s0, $0x4  }
0x3: {  	s0 =	stileid.u32;
	s1 =	sand.u32 $0x10, s1  }
0x4: {  	s1 =	sor.u32 s0, s1  }
0x5: {  	s6 =	rddreg [dreg:$0x0];
	s4 =	simm.s32 $0x1;
	s2 =	sshll.u32 s1, $0x7  }
0x6: {  	s7 =	simm.s32 $0x2;
	s12 =	simm.s32 $0x0;
	s1 =	ssub.s32 $0x1000, s2  }
0x7: {  	s8 =	simm.s32 $0x8000;
	s13 =	simm.s32 $0x0;
	s3 =	sand.u32 $0xF80, s1  }
0x8: {  	s9 =	simm.s32 $0x0;
	s5 =	sshrl.u32 s1, $0xC;
	p0 =	sne.s32 s3, $0x0  }
.Ltmp0:
0x9: {  	s1 =	rddreg [dreg:$0x2];
	s4 =	simm.s32 @!p0 $0x0;
	(pc) =	sbr.rel .LBB1_1-.Ltmp0, $4  }
0xa: {  	s11 =	simm.s32 $0x0;
	s3 =	rddreg [dreg:$0x1];
	s5 =	sadd.s32 s4, s5  }
0xb: {  	_ =	strace $0x8000004A;
	s4 =	simm.s32 $0x1;
	s5 =	smul.u32 $0xC8, s5  }
0xc: {  	s6 =	sadd.s32 $0x800, s6;
	s10 =	smov.u32 s2;
	[sflag:s4] =	ssyncpa.u1 $0x0  }
0xd: {  	p0 =	por $0x0, $0x0;
	[sflag:s7] =	ssyncpa.u1 $0x0;
	s7 =	sor.u32 $0x1, s5  }
.LBB1_4:
0xe: {  	s16 =	sshll.u32 s13, $0x3;
	s17 =	sand.u32 $0x78, s13  }
0xf: {  	s30 =	sand.u32 $0x7E00, s13;
	s12 =	sshll.u32 s12, $0xF;
	s16 =	sand.u32 $0xC00, s16  }
0x10: {  	[tilespmem:s15+$0x810 ss:$0x81] =	vst.msk $0xffff, v2;
	s31 =	sand.u32 $0x7, s13;
	s16 =	sor.u32 s17, s16;
	s17 =	sadd.s32 s3, s30  }
0x11: {  	[tilespmem:s15+$0x1020 ss:$0x81] =	vst.msk $0xffff, v0;
	s13 =	sshll.u32 s31, $0x12;
	s12 =	sadd.s32 s12, s17;
	s16 =	sshrl.u32 s16, $0x3  }
0x12: {  	[tilespmem:s15+$0x0 ss:$0x81] =	vst.msk $0xffff, v1;
	s13 =	sor.u32 $0x400, s13;
	s12 =	sadd.s32 s16, s12  }
0x13: {  	[hbm4b:s12+s13] =	stream.strided.scatter [tilespmem:s14], [sflag:$0x2], $0x2000, s8, s13, $0x20;
	[tilespmem:$0x8080] =	vst v63  }
.LBB1_5:
0x14: {  	s14 =	sadd.s32 $0x1, s9  }
0x15: {  	s12 =	sadd.s32 $0x1000, s10;
	s16 =	smov.u32 s10;
	p2 =	sgt.s32 s14, $0xC7  }
0x16: {  	s16 =	smov.u32 @p2 s12  }
0x17: {  	s14 =	simm.s32 @p2 $0x0;
	p2 =	sgt.s32 s16, $0xFFF  }
0x18: {  	s16 =	smov.u32 @p2 s2;
	p2 =	sne.s32 s11, s7  }
.Ltmp1:
0x19: {  	p1 =	slt.u32 s11, $0x2;
	(pc) =	sbr.rel @!p2 .LBB1_6-.Ltmp1, $4  }
0x1a: {  	s15 =	simm.s32 @!p1 $0x2  }
0x1b: {  	s13 =	smov.u32 s10;
	p0 =	por !p0, !p0;
	_ =	swait.ge @!p1 [sflag:s15], $0x2000  }
0x1c: {  	s12 =	smov.u32 s9;
	[sflag:s15] =	ssyncset.done @!p1 $0x0;
	s9 =	smov.u32 s14  }
0x1d: {  	s11 =	sadd.s32 $0x1, s11;
	[sflag:s15] =	ssyncadd.s32 @!p1 $0xFFFFE000;
	s10 =	smov.u32 s16  }
.LBB1_1:
0x1e: {  	p1 =	sge.u32 s11, s5  }
0x1f: {  	s14 =	sand.u32 @!p1 $0x1FFFFFF, s9  }
0x20: {  	s15 =	smulhi.u32 @!p1 $0x147AE15, s14;
	_ =	sdelay $0x1  }
0x21: {  	s15 =	smul.u32 @!p1 $0xC8, s15  }
0x22: {  	s16 =	sxor.u32 @!p1 $0xFFFFFFFF, s11;
	s17 =	smul.u32 @!p1 $0xC80, s10  }
0x23: {  	s31 =	sadd.s32 $0xFFFFFFFF, s11;
	s16 =	sshll.u32 @!p1 s16, $0xD;
	s14 =	ssub.s32 @!p1 s14, s15  }
0x24: {  	s15 =	sand.u32 @!p1 $0x2000, s16;
	s16 =	sadd.s32 @!p1 s6, s17;
	s14 =	sshll.u32 @!p1 s14, $0x4  }
0x25: {  	s17 =	simm.s32 @!p1 $0x6400;
	s14 =	sadd.s32 @!p1 s14, s16;
	s16 =	simm.s32 @!p1 $0x40  }
0x26: {  	[tilespmem:s15], [sflag:$0x1] =	stream.strided.gather @!p1 [hbm4b:s14+s16], $0x2000, s17, s16, $0x38;
	[tilespmem:$0x8080] =	vst v63  }
0x27: {  	p1 =	sge.u32 s31, s5  }
.Ltmp2:
0x28: {  	_ = 	snop;
	(pc) =	sbr.rel @p1 .LBB1_5-.Ltmp2, $1  }
0x29: {  	_ =	sdelay $0x3  }
0x2a: {  	s14 =	simm.s32 $0x1  }
0x2b: {  	_ =	swait.ge [sflag:s4], $0x2000;
	s14 =	simm.s32 @!p0 $0x0  }
0x2c: {  	[sflag:s4] =	ssyncset.done $0x0;
	s15 =	sshll.u32 s14, $0xD  }
0x2d: {  	[sflag:s4] =	ssyncadd.s32 $0xFFFFE000;
	s18 =	sor.u32 $0x20, s15  }
0x2e: {  	s14 =	smul.u32 $0x8100, s14;
	v3 =	vld [tilespmem:s18+$0x10]  }
0x2f: {  	s30 =	sand.u32 $0x1, s11;
	v2 =	vld [tilespmem:s18+$0xFFFFFFF0]  }
0x30: {  	s15 =	smul.u32 $0x8100, s30;
	s14 =	sshrl.u32 s14, $0x2;
	v0 =	vld [tilespmem:s18+$0x0]  }
0x31: {  	v1 =	vld [tilespmem:s18+$0xFFFFFFE0];
	s16 =	sor.u32 $0x4000, s14  }
0x32: {  	s31 =	sshrl.u32 s15, $0x2;
	s15 =	sadd.s32 $0x0, s16  }
0x33: {  	s17 =	simm.s32 $0x4;
	s18 =	sadd.s32 $0x40, s18;
	s14 =	sor.u32 $0x4000, s31;
	[tilespmem:s15+$0x1830 ss:$0x81] =	vst.msk $0xffff, v3  }
.LBB1_3:
0x34: {  	v3 =	vld [tilespmem:s18+$0x10];
	p1 =	sne.s32 s17, $0x1FC;
	[tilespmem:s15+$0x810 ss:$0x81] =	vst.msk $0xffff, v2;
	s19 =	smov.u32 s17;
	s17 =	sadd.s32 $0x4, s17  }
.Ltmp3:
0x35: {  	v2 =	vld [tilespmem:s18+$0xFFFFFFF0];
	[tilespmem:s15+$0x1020 ss:$0x81] =	vst.msk $0xffff, v0;
	(pc) =	sbr.rel @p1 .LBB1_3-.Ltmp3, $4  }
0x36: {  	v0 =	vld [tilespmem:s18+$0x0];
	[tilespmem:s15+$0x0 ss:$0x81] =	vst.msk $0xffff, v1  }
0x37: {  	s15 =	sshra.s32 s19, $0x2;
	v1 =	vld [tilespmem:s18+$0xFFFFFFE0]  }
0x38: {  	s15 =	sadd.s32 s15, s16  }
0x39: {  	s18 =	sadd.s32 $0x40, s18;
	[tilespmem:s15+$0x1830 ss:$0x81] =	vst.msk $0xffff, v3  }
.Ltmp4:
0x3a: {  	_ = 	snop;
	(pc) =	sbr.rel .LBB1_4-.Ltmp4, $1  }
0x3b: {  	_ =	sdelay $0x3  }
.LBB1_6:
0x3c: {  	_ =	sfence.sel $0x180000  }
0x3d: {  	s2 =	simm.s32 $0x1;
	[bflag:$0x0] =	sbarrier.arrive $0xFFFF  }
0x3e: {  	s31 =	simm.s32 $0x2;
	[sflag:s2] =	ssyncpa.u1 $0x1  }
0x3f: {  	[sflag:s31] =	ssyncpa.u1 $0x1  }
0x40: {  	p0 =	sne.s32 s0, $0x0;
	_ =	strace $0x9000004A  }
0x41: {  	s0 =	sadd.s32 @!p0 $0x100000, s1;
	[bflag:$0x2] =	sbarrier.arrive $0xFFFF  }
0x42: {  	[sflag:s0] =	ssyncadd.tile.s32 @!p0 $0x1;
	_ =	shalt  }
.Lfunc_end1:
_tile_overlayer_lowered:
.L_overlay_start_2:
0x43: {  	(tag) =	ssettag $0x2  }
0x44: {  	s0 =	rddreg [dreg:$0x0];
	s2 =	stileid.u32  }
0x45: {  	s1 =	rddreg [dreg:$0x1];
	p0 =	sne.s32 s2, $0x0  }
0x46: {  	s3 =	rddreg [dreg:$0x2];
	[bflag:$0x3] =	sbarrier.arrive $0xFFFF;
	s2 =	simm.s32 @!p0 $0x1C01  }
0x47: {  	[timem:s3], [sflag:s2] =	dma.local @!p0 [hbm:s0], s1  }
0x48: {  	s0 =	simm.s32 @!p0 $0x1  }
0x49: {  	_ =	swait.ge @!p0 [sflag:s0], s1  }
0x4a: {  	s1 =	ssub.s32 @!p0 $0x0, s1;
	[sflag:s0] =	ssyncset.done @!p0 $0x0  }
0x4b: {  	[sflag:s0] =	ssyncadd.s32 @!p0 s1  }
0x4c: {  	[bflag:$0x3] =	sbarrier.arrive $0xFFFF  }
0x4d: {  	_ =	shalt  }

</sc_bundles>
